<compile_context>
chip_gen: v7x
topology: tpu7x:2x2x1
jax: 0.10.2.dev20260603
libtpu: 0.0.44.dev20260713+nightly
codegen_flags: <defaults>
</compile_context>

<pallas_src>
import functools

import jax
import jax.numpy as jnp
from jax import lax
from jax.experimental import pallas as pl
from jax.experimental.pallas import tpu as pltpu
from jax.experimental.pallas import tpu_sc as plsc

NUM_EMBEDDINGS = 1000000
EMBED_DIM = 3
B_ROWS = 16384
B_COLS = 26
TOTAL = B_ROWS * B_COLS
TABLE_WORDS = NUM_EMBEDDINGS * EMBED_DIM
NUM_WORKERS = 32
BPW = B_ROWS // NUM_WORKERS
ROWS = EMBED_DIM * B_COLS
LANES = 16
GRP = BPW // LANES


def _gather_body(tab_hbm, idx_hbm, out_hbm, idx_v, widx_v, rows_v, sem, gsem):
    wid = lax.axis_index("s") * 2 + lax.axis_index("c")
    b0 = wid * BPW

    pltpu.sync_copy(idx_hbm.at[:, pl.ds(b0, BPW)], idx_v)

    def expand_fire(r, carry):
        j = r % B_COLS
        plane = (r // B_COLS) * NUM_EMBEDDINGS

        def grp(g, c2):
            widx_v[r, pl.ds(g * LANES, LANES)] = (
                idx_v[j, pl.ds(g * LANES, LANES)] + plane
            )
            return c2

        lax.fori_loop(0, GRP, grp, 0)
        pltpu.async_copy(tab_hbm.at[widx_v.at[r]], rows_v.at[r], gsem)
        return carry

    lax.fori_loop(0, ROWS, expand_fire, 0)

    pltpu.make_async_copy(out_hbm.at[:, pl.ds(b0, BPW)], rows_v, gsem).wait()

    pltpu.sync_copy(rows_v, out_hbm.at[:, pl.ds(b0, BPW)])


_gather_call = pl.kernel(
    _gather_body,
    out_type=jax.ShapeDtypeStruct((ROWS, B_ROWS), jnp.float32),
    mesh=plsc.VectorSubcoreMesh(core_axis_name="c", subcore_axis_name="s"),
    scratch_types=[
        pltpu.VMEM((B_COLS, BPW), jnp.int32),
        pltpu.VMEM((ROWS, BPW), jnp.int32),
        pltpu.VMEM((ROWS, BPW), jnp.float32),
        pltpu.SemaphoreType.DMA,
        pltpu.SemaphoreType.DMA,
    ],
    compiler_params=pltpu.CompilerParams(
        use_tc_tiling_on_sc=False, needs_layout_passes=False
    ),
)


@jax.jit
def kernel(inputs, weight):
    flat_w = weight.T.reshape(TABLE_WORDS)
    idx_cm = inputs.T.astype(jnp.int32)
    out = _gather_call(flat_w, idx_cm)
    return out.reshape(EMBED_DIM, B_COLS, B_ROWS).transpose(2, 1, 0)

# --- scband reference (transcript-rebuilt; emitter-appended) ---
"""Pipeline reference for scband-custom-model-single-embedding-62277025792617 (READ-ONLY COPY).

The authoritative reference and input builder live on the scoring server;
editing this copy changes nothing except your own understanding.
"""

import jax, jax.numpy as jnp
import numpy as np

NUM_EMBEDDINGS = 1000000
EMBED_DIM = 3

def setup_inputs(seed: int = 0) -> dict:
    key = jax.random.key(seed)
    k1, k2 = jax.random.split(key)
    inputs = jax.random.randint(k1, (16384, 26), 0, NUM_EMBEDDINGS, dtype=jnp.int64 if jax.config.jax_enable_x64 else jnp.int32)
    # Embedding weight initialized like torch.nn.Embedding (N(0,1))
    weight = jax.random.normal(k2, (NUM_EMBEDDINGS, EMBED_DIM), dtype=jnp.float32)
    return {"inputs": inputs, "weight": weight}

def reference(inputs, weight):
    # torch.nn.Embedding forward: gather rows of the table
    output = jnp.take(weight, inputs, axis=0)
    return output

if __name__ == "__main__":
    import jax
    _d = setup_inputs()
    print(jax.jit(kernel)(*tuple(_d.values())))

</pallas_src>

<mosaic_0001>
#map = affine_map<(d0, d1) -> (0)>
#map1 = affine_map<(d0, d1) -> (0, 0)>
module attributes {stable_mosaic.version = 14 : i64} {
  func.func @_gather_body(%arg0: i32, %arg1: i32, %arg2: memref<3000000xf32, #tpu.memory_space<hbm>>, %arg3: memref<26x16384xi32, #tpu.memory_space<hbm>>, %arg4: memref<78x16384xf32, #tpu.memory_space<hbm>>, %arg5: memref<26x512xi32, #tpu.memory_space<vmem>>, %arg6: memref<78x512xi32, #tpu.memory_space<vmem>>, %arg7: memref<78x512xf32, #tpu.memory_space<vmem>>, %arg8: memref<!tpu.dma_semaphore, #tpu.memory_space<semaphore_mem>>, %arg9: memref<!tpu.dma_semaphore, #tpu.memory_space<semaphore_mem>>) attributes {dimension_semantics = [#tpu.dimension_semantics<core_parallel>, #tpu.dimension_semantics<subcore_parallel>], iteration_bounds = array<i64: 2, 16>, scalar_prefetch = 0 : i64, scratch_operands = 5 : i64, tpu.core_type = #tpu.core_type<sc_vector_subcore>, window_params = [{transform_indices = #map}, {transform_indices = #map1}, {transform_indices = #map1}]} {
    %mul3A = arith.constant 2 : i32
    %mul3A_0 = arith.muli %arg1, %mul3A : i32
    %add3A = arith.addi %mul3A_0, %arg0 : i32
    %mul3A_1 = arith.constant 512 : i32
    %mul3A_2 = arith.muli %add3A, %mul3A_1 : i32
    "tpu.region"() ({
      %run_scoped3A = tpu.sem_alloc : memref<!tpu.dma_semaphore, #tpu.memory_space<semaphore_mem>>
      %dma_start3A = arith.constant 0 : i32
      %dma_start3A_11 = tpu.memref_slice %arg3[%dma_start3A, %mul3A_2] : memref<26x16384xi32, #tpu.memory_space<hbm>> -> memref<26x512xi32, #tpu.memory_space<hbm>>
      %dma_start3A_12 = arith.constant 0 : i32
      %dma_start3A_13 = tpu.memref_slice %arg3[%dma_start3A_12, %mul3A_2] : memref<26x16384xi32, #tpu.memory_space<hbm>> -> memref<26x512xi32, #tpu.memory_space<hbm>>
      tpu.enqueue_dma source(%dma_start3A_13 : memref<26x512xi32, #tpu.memory_space<hbm>>) target(%arg5 : memref<26x512xi32, #tpu.memory_space<vmem>>) target_semaphore(%run_scoped3A : memref<!tpu.dma_semaphore, #tpu.memory_space<semaphore_mem>>)
      %dma_wait3A_14 = arith.constant 0 : i32
      %dma_wait3A_15 = tpu.memref_slice %arg3[%dma_wait3A_14, %mul3A_2] : memref<26x16384xi32, #tpu.memory_space<hbm>> -> memref<26x512xi32, #tpu.memory_space<hbm>>
      %dma_wait3A_16 = arith.constant 0 : i32
      %dma_wait3A_17 = tpu.memref_slice %arg3[%dma_wait3A_16, %mul3A_2] : memref<26x16384xi32, #tpu.memory_space<hbm>> -> memref<26x512xi32, #tpu.memory_space<hbm>>
      tpu.wait_dma2 semaphore(%run_scoped3A : memref<!tpu.dma_semaphore, #tpu.memory_space<semaphore_mem>>) src(%dma_wait3A_17 : memref<26x512xi32, #tpu.memory_space<hbm>>) dst(%arg5 : memref<26x512xi32, #tpu.memory_space<vmem>>)
      tpu.yield
    }) : () -> ()
    %scan3A = arith.constant 0 : i32
    %scan3A_3 = arith.constant 0 : i32
    %scan3A_4 = arith.constant 78 : i32
    %scan3A_5 = arith.addi %scan3A_3, %scan3A_4 : i32
    %scan3A_6 = arith.constant 1 : i32
    scf.for %scan3A_11 = %scan3A_3 to %scan3A_5 step %scan3A_6  : i32 {
      %jit3A = arith.constant 26 : i32
      %eq3A = arith.constant 0 : i32
      %eq3A_12 = arith.cmpi eq, %jit3A, %eq3A : i32
      %jit3A_13 = arith.constant 1 : i32
      %select_n3A = arith.select %eq3A_12, %jit3A_13, %jit3A : i32
      %rem3A = arith.remsi %scan3A_11, %select_n3A : i32
      %ne3A = arith.constant 0 : i32
      %ne3A_14 = arith.cmpi ne, %rem3A, %ne3A : i32
      %lt3A = arith.constant 0 : i32
      %lt3A_15 = arith.cmpi slt, %rem3A, %lt3A : i32
      %lt3A_16 = arith.constant 0 : i32
      %lt3A_17 = arith.cmpi slt, %select_n3A, %lt3A_16 : i32
      %ne3A_18 = arith.xori %lt3A_15, %lt3A_17 : i1
      %and3A = arith.andi %ne3A_18, %ne3A_14 : i1
      %add3A_19 = arith.addi %rem3A, %select_n3A : i32
      %select_n3A_20 = arith.select %and3A, %add3A_19, %rem3A : i32
      %jit3A_21 = arith.constant 26 : i32
      %div3A = arith.divsi %scan3A_11, %jit3A_21 : i32
      %sign3A = arith.constant 0 : i32
      %sign3A_22 = arith.cmpi sgt, %scan3A_11, %sign3A : i32
      %sign3A_23 = arith.extui %sign3A_22 : i1 to i32
      %sign3A_24 = arith.constant 0 : i32
      %sign3A_25 = arith.cmpi slt, %scan3A_11, %sign3A_24 : i32
      %sign3A_26 = arith.extui %sign3A_25 : i1 to i32
      %sign3A_27 = arith.subi %sign3A_23, %sign3A_26 : i32
      %sign3A_28 = arith.constant 0 : i32
      %sign3A_29 = arith.cmpi sgt, %jit3A_21, %sign3A_28 : i32
      %sign3A_30 = arith.extui %sign3A_29 : i1 to i32
      %sign3A_31 = arith.constant 0 : i32
      %sign3A_32 = arith.cmpi slt, %jit3A_21, %sign3A_31 : i32
      %sign3A_33 = arith.extui %sign3A_32 : i1 to i32
      %sign3A_34 = arith.subi %sign3A_30, %sign3A_33 : i32
      %ne3A_35 = arith.cmpi ne, %sign3A_27, %sign3A_34 : i32
      %rem3A_36 = arith.remsi %scan3A_11, %jit3A_21 : i32
      %ne3A_37 = arith.constant 0 : i32
      %ne3A_38 = arith.cmpi ne, %rem3A_36, %ne3A_37 : i32
      %and3A_39 = arith.andi %ne3A_35, %ne3A_38 : i1
      %sub3A = arith.constant 1 : i32
      %sub3A_40 = arith.subi %div3A, %sub3A : i32
      %select_n3A_41 = arith.select %and3A_39, %sub3A_40, %div3A : i32
      %mul3A_42 = arith.constant 1000000 : i32
      %mul3A_43 = arith.muli %select_n3A_41, %mul3A_42 : i32
      %scan3A_44 = arith.constant 0 : i32
      %scan3A_45 = arith.constant 0 : i32
      %scan3A_46 = arith.constant 32 : i32
      %scan3A_47 = arith.addi %scan3A_45, %scan3A_46 : i32
      %scan3A_48 = arith.constant 1 : i32
      scf.for %scan3A_57 = %scan3A_45 to %scan3A_47 step %scan3A_48  : i32 {
        %mul3A_58 = arith.constant 16 : i32
        %mul3A_59 = arith.muli %scan3A_57, %mul3A_58 : i32
        %get3A = arith.index_cast %select_n3A_20 : i32 to index
        %get3A_60 = arith.index_cast %mul3A_59 : i32 to index
        %get3A_61 = tpu.vector_load %arg5[%get3A, %get3A_60] {strides = array<i32>} : memref<26x512xi32, #tpu.memory_space<vmem>>, vector<16xi32>,
        %add3A_62 = vector.broadcast %mul3A_43 : i32 to vector<16xi32>
        %add3A_63 = arith.addi %get3A_61, %add3A_62 : vector<16xi32>
        %mul3A_64 = arith.constant 16 : i32
        %mul3A_65 = arith.muli %scan3A_57, %mul3A_64 : i32
        %swap3A = arith.index_cast %scan3A_11 : i32 to index
        %swap3A_66 = arith.index_cast %mul3A_65 : i32 to index
        %swap3A_67 = tpu.vector_load %arg6[%swap3A, %swap3A_66] {strides = array<i32>} : memref<78x512xi32, #tpu.memory_space<vmem>>, vector<16xi32>,
        tpu.vector_store %arg6[%swap3A, %swap3A_66], %add3A_63 {strides = array<i32>} : memref<78x512xi32, #tpu.memory_space<vmem>>, vector<16xi32>,
      }
      %scan3A_49 = arith.constant 32 : i32
      %dma_start3A = arith.constant 0 : i32
      %dma_start3A_50 = tpu.memref_slice %arg7[%scan3A_11, %dma_start3A] : memref<78x512xf32, #tpu.memory_space<vmem>> -> memref<1x512xf32, #tpu.memory_space<vmem>>
      %dma_start3A_51 = tpu.memref_squeeze %dma_start3A_50 : memref<1x512xf32, #tpu.memory_space<vmem>> -> memref<512xf32, #tpu.memory_space<vmem>>
      %dma_start3A_52 = arith.constant 0 : i32
      %dma_start3A_53 = tpu.memref_slice %arg6[%scan3A_11, %dma_start3A_52] : memref<78x512xi32, #tpu.memory_space<vmem>> -> memref<1x512xi32, #tpu.memory_space<vmem>>
      %dma_start3A_54 = tpu.memref_squeeze %dma_start3A_53 : memref<1x512xi32, #tpu.memory_space<vmem>> -> memref<512xi32, #tpu.memory_space<vmem>>
      %dma_start3A_55 = arith.constant 0 : i32
      %dma_start3A_56 = tpu.memref_slice %arg2[%dma_start3A_55] : memref<3000000xf32, #tpu.memory_space<hbm>> -> memref<3000000xf32, #tpu.memory_space<hbm>>
      tpu.enqueue_indirect_dma source(%dma_start3A_56 : memref<3000000xf32, #tpu.memory_space<hbm>>) target(%dma_start3A_51 : memref<512xf32, #tpu.memory_space<vmem>>) offsets(%dma_start3A_54 : memref<512xi32, #tpu.memory_space<vmem>>) semaphore(%arg9 : memref<!tpu.dma_semaphore, #tpu.memory_space<semaphore_mem>>)
    }
    %scan3A_7 = arith.constant 78 : i32
    %dma_wait3A = arith.constant 0 : i32
    %dma_wait3A_8 = tpu.memref_slice %arg4[%dma_wait3A, %mul3A_2] : memref<78x16384xf32, #tpu.memory_space<hbm>> -> memref<78x512xf32, #tpu.memory_space<hbm>>
    %dma_wait3A_9 = arith.constant 0 : i32
    %dma_wait3A_10 = tpu.memref_slice %arg4[%dma_wait3A_9, %mul3A_2] : memref<78x16384xf32, #tpu.memory_space<hbm>> -> memref<78x512xf32, #tpu.memory_space<hbm>>
    tpu.wait_dma2 semaphore(%arg9 : memref<!tpu.dma_semaphore, #tpu.memory_space<semaphore_mem>>) src(%dma_wait3A_10 : memref<78x512xf32, #tpu.memory_space<hbm>>) dst(%arg7 : memref<78x512xf32, #tpu.memory_space<vmem>>)
    "tpu.region"() ({
      %run_scoped3A = tpu.sem_alloc : memref<!tpu.dma_semaphore, #tpu.memory_space<semaphore_mem>>
      %dma_start3A = arith.constant 0 : i32
      %dma_start3A_11 = tpu.memref_slice %arg4[%dma_start3A, %mul3A_2] : memref<78x16384xf32, #tpu.memory_space<hbm>> -> memref<78x512xf32, #tpu.memory_space<hbm>>
      %dma_start3A_12 = arith.constant 0 : i32
      %dma_start3A_13 = tpu.memref_slice %arg4[%dma_start3A_12, %mul3A_2] : memref<78x16384xf32, #tpu.memory_space<hbm>> -> memref<78x512xf32, #tpu.memory_space<hbm>>
      tpu.enqueue_dma source(%arg7 : memref<78x512xf32, #tpu.memory_space<vmem>>) target(%dma_start3A_13 : memref<78x512xf32, #tpu.memory_space<hbm>>) target_semaphore(%run_scoped3A : memref<!tpu.dma_semaphore, #tpu.memory_space<semaphore_mem>>)
      %dma_wait3A_14 = arith.constant 0 : i32
      %dma_wait3A_15 = tpu.memref_slice %arg4[%dma_wait3A_14, %mul3A_2] : memref<78x16384xf32, #tpu.memory_space<hbm>> -> memref<78x512xf32, #tpu.memory_space<hbm>>
      %dma_wait3A_16 = arith.constant 0 : i32
      %dma_wait3A_17 = tpu.memref_slice %arg4[%dma_wait3A_16, %mul3A_2] : memref<78x16384xf32, #tpu.memory_space<hbm>> -> memref<78x512xf32, #tpu.memory_space<hbm>>
      tpu.wait_dma2 semaphore(%run_scoped3A : memref<!tpu.dma_semaphore, #tpu.memory_space<semaphore_mem>>) src(%arg7 : memref<78x512xf32, #tpu.memory_space<vmem>>) dst(%dma_wait3A_17 : memref<78x512xf32, #tpu.memory_space<hbm>>)
      tpu.yield
    }) : () -> ()
    return
  }
}

</mosaic_0001>

<sc_bundles>
// kernel: kernel.3.cloned.1.call-start
scs
__scs_entry_jumppad:
0x0: {  	(pc) =	sbr.rel $0x88, $3  }
0x1: {  	(tag) =	ssettag $0x0;
	lr =	simm.s32 $0x1  }
0x2: {  	[smem:$0x3F9F] =	sst lr;
	_ =	strace $0xD0000000  }
0x3: {  	_ = 	snop  }
0x4: {  	_ = 	snop  }
0x5: {  	_ = 	snop  }
0x6: {  	_ = 	snop  }
0x7: {  	_ = 	snop  }
__scs_overlays_trampoline_lowered:
0x8: {  	[smem:$0x3FAE] =	sst s0  }
0x9: {  	[smem:$0x3FAF] =	sst s1  }
0xa: {  	[smem:$0x3FB0] =	sst s2  }
0xb: {  	[smem:$0x3FB1] =	sst s3  }
0xc: {  	[smem:$0x3FB2] =	sst s4  }
0xd: {  	[smem:$0x3FB3] =	sst s5  }
0xe: {  	[smem:$0x3FB4] =	sst s6  }
0xf: {  	[smem:$0x3FB5] =	sst s7  }
0x10: {  	[smem:$0x3FB6] =	sst s8  }
0x11: {  	[smem:$0x3FB7] =	sst s9;
	s0 =	simm.s32 @!p0 $0x0  }
0x12: {  	s1 =	sld [smem:$0x3F9D];
	s0 =	simm.s32 @p0 $0x1  }
0x13: {  	[smem:$0x3FB8] =	sst s0;
	s0 =	simm.s32 @!p1 $0x0  }
0x14: {  	s2 =	sld [smem:$0x3F9C];
	s0 =	simm.s32 @p1 $0x1  }
0x15: {  	[smem:$0x3FB9] =	sst s0;
	s0 =	simm.s32 @!p2 $0x0  }
0x16: {  	s3 =	sld [smem:$0x3FDB];
	s0 =	simm.s32 @p2 $0x1  }
0x17: {  	s4 =	simm.s32 $0x1BF5;
	[smem:$0x3FBB] =	sst s0  }
0x18: {  	s0 =	sld [smem:$0x3F9E];
	_ =	swait.ge [sflag:s4], $0x0  }
0x19: {  	s7 =	sld [smem:$0x3F9F]  }
0x1a: {  	s8 =	sadd.s32 $0xFFFFE003, lr  }
0x1b: {  	s9 =	sadd.s32 $0xFFFFFEF7, lr;
	s5 =	simm.s32 $0xFFFFFFFF;
	p2 =	slt.u32 s8, $0xFFFFF086  }
0x1c: {  	p1 =	slt.u32 s9, $0xF7A;
	s5 =	simm.s32 @!p2 $0x0  }
0x1d: {  	s5 =	simm.s32 @p1 $0x1;
	p0 =	seq.s32 s7, s2  }
0x1e: {  	s7 =	smul.u32 @!p0 $0xF7A, s2;
	p2 =	seq.s32 @!p0 s5, $0x0  }
0x1f: {  	s9 =	smul.u32 $0xF7A, s1;
	s8 =	simm.s32 @!p0 $0x1BF5;
	p2 =	por !p2, p0  }
0x20: {  	[sflag:s8] =	ssyncset.s32 @!p0 $0xFFFFF086;
	s6 =	sadd.s32 @!p0 s3, s7;
	s7 =	simm.s32 @!p0 $0x108  }
0x21: {  	s3 =	sadd.s32 s3, s9;
	s6 =	sadd.s32 @!p0 $0x88, s6;
	s7 =	simm.s32 @p2 $0x1082  }
0x22: {  	[simem:s7], [sflag:s8] =	dma.local @!p0 [hbm:s6], $0xF7A  }
0x23: {  	s9 =	sor.u32 $0xD0000000, s2;
	s6 =	simm.s32 $0x108;
	_ =	swait.ge @!p0 [sflag:s8], $0x0  }
0x24: {  	s3 =	sadd.s32 $0x88, s3;
	s6 =	simm.s32 @!p1 $0x1082;
	[sflag:s4] =	ssyncset.s32 $0xFFFFF086  }
0x25: {  	[simem:s6], [sflag:s4] =	dma.local [hbm:s3], $0xF7A  }
0x26: {  	[smem:$0x3F9F] =	sst s1;
	(tag) =	ssettag s2;
	_ =	strace s9  }
0x27: {  	s1 =	sld [smem:$0x3FAF]  }
0x28: {  	s2 =	sld [smem:$0x3FB0]  }
0x29: {  	s4 =	sld [smem:$0x3FB2]  }
0x2a: {  	p0 =	seq.s32 s5, $0x0;
	s5 =	sld [smem:$0x3FB3]  }
0x2b: {  	s6 =	sld [smem:$0x3FB4]  }
0x2c: {  	s7 =	sld [smem:$0x3FB5]  }
0x2d: {  	s3 =	simm.s32 $0x108;
	s8 =	sld [smem:$0x3FB6]  }
0x2e: {  	s3 =	simm.s32 @!p0 $0x1082;
	s9 =	sld [smem:$0x3FB7]  }
0x2f: {  	lr =	sadd.s32 s0, s3;
	s0 =	sld [smem:$0x3FAE]  }
0x30: {  	s3 =	sld [smem:$0x3FB1]  }
0x31: {  	[smem:$0x3FBA] =	sst s10  }
0x32: {  	s10 =	sld [smem:$0x3FB8];
	_ =	sdelay $0x3  }
0x33: {  	p0 =	seq.s32 s10, $0x1;
	s10 =	sld [smem:$0x3FBA];
	_ =	sdelay $0x3  }
0x34: {  	[smem:$0x3FBA] =	sst s10  }
0x35: {  	s10 =	sld [smem:$0x3FB9];
	_ =	sdelay $0x3  }
0x36: {  	p1 =	seq.s32 s10, $0x1;
	s10 =	sld [smem:$0x3FBA];
	_ =	sdelay $0x3  }
0x37: {  	[smem:$0x3FBA] =	sst s10  }
0x38: {  	s10 =	sld [smem:$0x3FBB]  }
0x39: {  	_ = 	snop;
	(pc) =	sbr.ind lr, $3  }
0x3a: {  	_ = 	snop  }
0x3b: {  	_ = 	snop  }
0x3c: {  	p2 =	seq.s32 s10, $0x1;
	s10 =	sld [smem:$0x3FBA]  }
0x3d: {  	_ =	shalt  }
0x3e: {  	_ =	shalt  }
0x3f: {  	_ =	shalt  }
0x40: {  	_ =	shalt  }
0x41: {  	_ =	shalt  }
0x42: {  	_ =	shalt  }
0x43: {  	_ =	shalt  }
0x44: {  	_ =	shalt  }
0x45: {  	_ =	shalt  }
0x46: {  	_ =	shalt  }
0x47: {  	_ =	shalt  }
0x48: {  	_ =	shalt  }
0x49: {  	_ =	shalt  }
0x4a: {  	_ =	shalt  }
0x4b: {  	_ =	shalt  }
0x4c: {  	_ =	shalt  }
0x4d: {  	_ =	shalt  }
0x4e: {  	_ =	shalt  }
0x4f: {  	_ =	shalt  }
0x50: {  	_ =	shalt  }
0x51: {  	_ =	shalt  }
0x52: {  	_ =	shalt  }
0x53: {  	_ =	shalt  }
0x54: {  	_ =	shalt  }
0x55: {  	_ =	shalt  }
0x56: {  	_ =	shalt  }
0x57: {  	_ =	shalt  }
0x58: {  	_ =	shalt  }
0x59: {  	_ =	shalt  }
0x5a: {  	_ =	shalt  }
0x5b: {  	_ =	shalt  }
0x5c: {  	_ =	shalt  }
0x5d: {  	_ =	shalt  }
0x5e: {  	_ =	shalt  }
0x5f: {  	_ =	shalt  }
0x60: {  	_ =	shalt  }
0x61: {  	_ =	shalt  }
0x62: {  	_ =	shalt  }
0x63: {  	_ =	shalt  }
0x64: {  	_ =	shalt  }
0x65: {  	_ =	shalt  }
0x66: {  	_ =	shalt  }
0x67: {  	_ =	shalt  }
0x68: {  	_ =	shalt  }
0x69: {  	_ =	shalt  }
0x6a: {  	_ =	shalt  }
0x6b: {  	_ =	shalt  }
0x6c: {  	_ =	shalt  }
0x6d: {  	_ =	shalt  }
0x6e: {  	_ =	shalt  }
0x6f: {  	_ =	shalt  }
0x70: {  	_ =	shalt  }
0x71: {  	_ =	shalt  }
0x72: {  	_ =	shalt  }
0x73: {  	_ =	shalt  }
0x74: {  	_ =	shalt  }
0x75: {  	_ =	shalt  }
0x76: {  	_ =	shalt  }
0x77: {  	_ =	shalt  }
0x78: {  	_ =	shalt  }
0x79: {  	_ =	shalt  }
0x7a: {  	_ =	shalt  }
0x7b: {  	_ =	shalt  }
0x7c: {  	_ =	shalt  }
0x7d: {  	_ =	shalt  }
0x7e: {  	_ =	shalt  }
0x7f: {  	_ =	shalt  }
0x80: {  	_ =	shalt  }
0x81: {  	_ =	shalt  }
0x82: {  	_ =	shalt  }
0x83: {  	_ =	shalt  }
0x84: {  	_ =	shalt  }
0x85: {  	_ =	shalt  }
0x86: {  	_ =	shalt  }
0x87: {  	_ =	shalt  }
.Lfunc_end0:
.L_simem_size_0:
called_computation_lowered:
.L_overlay_start_0:
0x88: {  	s2 =	sld [smem:$0x3FD9]  }
0x89: {  	s3 =	sld [smem:$0x3FFE];
	_ =	sdelay $0x1  }
0x8a: {  	s1 =	srdreg.scid  }
0x8b: {  	s0 =	sand.u32 $0x1, s1  }
0x8c: {  	s17 =	sshll.u32 s0, $0xA;
	s2 =	sadd.s32 s3, s2  }
0x8d: {  	s2 =	sadd.s32 s2, s17  }
0x8e: {  	[smem:$0x3FC6] =	sst s2  }
0x8f: {  	_ = 	snop  }
0x90: {  	s2 =	sld [smem:$0x3FD0];
	(tm) =	ssettm $0x1  }
0x91: {  	s18 =	sld [smem:$0x3FFB];
	_ =	sdelay $0x3  }
0x92: {  	_ =	strace s18  }
0x93: {  	s3 =	sld [smem:$0x3FFC];
	_ =	sdelay $0x3  }
0x94: {  	_ =	strace s3  }
0x95: {  	s3 =	sld [smem:$0x3FFD];
	_ =	sdelay $0x3  }
0x96: {  	_ =	strace s3  }
0x97: {  	_ =	strace $0x8FFFFFFF  }
0x98: {  	s19 =	sld [smem:$0x3FDB];
	_ =	sdelay $0x1  }
0x99: {  	s4 =	simm.s32 $_scs_section_size  }
0x9a: {  	s5 =	simm.s32 $_size__tile_overlayer_lowered;
	s6 =	simm.s32 $_tile_overlayer_lowered  }
0x9b: {  	s22 =	simm.s32 $0x1BFF;
	s21 =	sshll.u32 s6, $0x1;
	s3 =	sadd.s32 s4, s19  }
0x9c: {  	s7 =	simm.s32 $0x0;
	s20 =	sshll.u32 s5, $0x1;
	s5 =	sadd.s32 s21, s3  }
0x9d: {  	[timem:s7], [sflag:s22] =	dma.local [hbm:s5], s20  }
0x9e: {  	_ =	swait.ge [sflag:s22], s20  }
0x9f: {  	s4 =	ssub.s32 $0x0, s20;
	[sflag:s22] =	ssyncset.done $0x0  }
0xa0: {  	[sflag:s22] =	ssyncadd.s32 s4;
	_ =	sdelay $0x1  }
0xa1: {  	s23 =	simm.s32 $0x1B8B  }
0xa2: {  	_ =	swait.ge [sflag:s23], $0x1  }
0xa3: {  	[sflag:s23] =	ssyncset.done $0x0  }
0xa4: {  	s25 =	simm.s32 $0x1B8E;
	s24 =	sld [smem:$0x3FFE];
	[sflag:s23] =	ssyncadd.s32 $0xFFFFFFFF  }
0xa5: {  	s26 =	simm.s32 $execute0_lowered;
	[smem:$0x3FD2] =	sst s25  }
0xa6: {  	s5 =	sshll.u32 s26, $0x1;
	_ =	strace $0x80000046;
	[dreg:$0x1] =	wrdreg $0xFFFFFFFF  }
0xa7: {  	s28 =	simm.s32 $_size_execute0_lowered;
	s3 =	sadd.s32 s3, s5;
	[dreg:$0x0] =	wrdreg $0x0  }
0xa8: {  	s5 =	sshll.u32 s28, $0x1;
	[dreg:$0x2] =	wrdreg s3  }
0xa9: {  	[dreg:$0x3] =	wrdreg s5  }
0xaa: {  	[dreg:$0x4] =	wrdreg $0xC0  }
0xab: {  	_ =	task [dreg:s7], $0x5FFFF  }
0xac: {  	[dreg:$0x1] =	wrdreg $0xFFFFFFFF  }
0xad: {  	[dreg:$0x0] =	wrdreg $0x60  }
0xae: {  	[dreg:$0x2] =	wrdreg s24  }
0xaf: {  	[dreg:$0x3] =	wrdreg s2  }
0xb0: {  	[dreg:$0x4] =	wrdreg $0x9  }
0xb1: {  	_ =	task.clear_ibuf [dreg:s7], $0x5FFFF;
	_ =	strace $0x90000046  }
0xb2: {  	s29 =	simm.s32 $0x9;
	_ =	strace $0x80000048  }
0xb3: {  	_ =	swait.ge [sflag:s29], $0x1  }
0xb4: {  	[sflag:s29] =	ssyncadd.s32 $0xFFFFFFFF  }
0xb5: {  	_ =	strace $0x90000048  }
0xb6: {  	_ =	sfence  }
0xb7: {  	s30 =	sld [smem:$0x0];
	_ =	sdelay $0x2  }
0xb8: {  	s31 =	sshll.u32 s1, $0xD;
	s1 =	sshrl.u32 s1, $0x2  }
0xb9: {  	s3 =	sand.u32 $0x4000, s31;
	s1 =	sadd.s32 s1, s30  }
0xba: {  	s0 =	sor.u32 s3, s0;
	s1 =	sshll.u32 s1, $0x11  }
0xbb: {  	s0 =	sor.u32 s1, s0  }
0xbc: {  	s0 =	sadd.s32 $0x8F2B, s0  }
0xbd: {  	[sflag:s0] =	ssyncadd.remote.s32 $0x1  }
0xbe: {  	_ =	sfence.sel $0xFFFF  }
0xbf: {  	[dreg:$0x0] =	wrdreg $0xFFFFFFFF;
	(pc) =	sbr.abs _section_cstart, $3  }
0xc0: {  	[dreg:$0x1] =	wrdreg $0xFFFFFFFF  }
0xc1: {  	_ =	task.clear_ibuf [dreg:s7], $0x2FFFF;
	_ =	strace $0x9FFFFFFF  }
0xc2: {  	(tm) =	ssettm $0x7FFFFFFF  }
0xc3: {  	_ =	shalt  }
tec
execute0_lowered:
.L_overlay_start_1:
0x0: {  	(tag) =	ssettag $0x1  }
0x1: {  	s4 =	rddreg [dreg:$0x0]  }
0x2: {  	s5 =	rddreg [dreg:$0x1]  }
0x3: {  	s0 =	rddreg [dreg:$0x2];
	s2 =	simm.s32 $0x0;
	s3 =	srdreg.scid  }
0x4: {  	s1 =	stileid.u32;
	s10 =	simm.s32 $0x1;
	s11 =	simm.s32 $0xD000  }
0x5: {  	s12 =	simm.s32 $0x0;
	[smem:$0x7FF] =	sst s2;
	s3 =	sand.u32 $0x1, s3  }
0x6: {  	s6 =	sshll.u32 s1, $0x7;
	s7 =	sshll.u32 s3, $0x6;
	s8 =	ssub.s32 $0x2, s3  }
0x7: {  	_ =	strace $0x80000047;
	s6 =	sor.u32 s7, s6;
	s31 =	sshrl.u32 s8, $0x1  }
0x8: {  	s3 =	sadd.s32 $0x400, s4;
	s9 =	sadd.s32 s6, s4;
	s7 =	ssub.s32 s8, s31  }
0x9: {  	s4 =	sadd.s32 s5, s6;
	s8 =	simm.s32 $0x4000;
	s5 =	sadd.s32 $0x5BE00, s9  }
0xa: {  	s6 =	smax.u32 s7, $0x1;
	s7 =	simm.s32 $0x200;
	s9 =	simm.s32 $0x2  }
.LBB2_1:
0xb: {  	[tilespmem:s2], [sflag:$0x2] =	stream.strided.gather [hbm4b:s4+s7], $0x3400, s8, s7, $0x38;
	[tilespmem:$0x16C00] =	vst v63  }
0xc: {  	_ =	swait.ge [sflag:s9], $0x3400  }
0xd: {  	s13 =	simm.s32 $0x3400;
	[sflag:s9] =	ssyncset.done $0x0  }
0xe: {  	s14 =	simm.s32 $0x0;
	s15 =	simm.s32 $0x0;
	[sflag:s9] =	ssyncadd.s32 $0xFFFFCC00  }
.LBB2_2:
0xf: {  	s16 =	smulhi.u32 $0x4EC4EC4F, s15;
	_ =	sdelay $0x1  }
0x10: {  	s16 =	sshrl.u32 s16, $0x3  }
0x11: {  	s16 =	smul.u32 $0xFFFF3000, s16;
	_ =	sdelay $0x1  }
0x12: {  	s17 =	smul.u32 $0x4F, s15;
	s16 =	sshra.s32 s16, $0x2  }
0x13: {  	s16 =	sadd.s32 s16, s14  }
0x14: {  	s17 =	sshrl.u32 s17, $0xB;
	v2 =	vmov s16  }
0x15: {  	s17 =	sand.u32 $0x1F, s17  }
0x16: {  	s17 =	smul.u32 $0xF4240, s17;
	_ =	sdelay $0x1  }
0x17: {  	v1 =	vmov s13;
	v0 =	vmov s17;
	s17 =	simm.s32 $0x40;
	s16 =	simm.s32 $0x0  }
.LBB2_3:
0x18: {  	p0 =	sne.s32 s17, $0x7C0;
	v3 =	vld.idx.msk [tilespmem:v2+s16+$0x0 ss:$0x1], $0xffff;
	_ =	sdelay $0x2  }
.Ltmp0:
0x19: {  	(pc) =	sbr.rel @p0 .LBB2_3-.Ltmp0, $3  }
0x1a: {  	_ =	sdelay $0x1  }
0x1b: {  	v3 =	vadd.s32 v0, v3  }
0x1c: {  	[tilespmem:v1+s16+$0x0 ss:$0x1] =	vst.idx.msk $0xffff, v3;
	s16 =	sshra.s32 s17, $0x2;
	s17 =	sadd.s32 $0x40, s17  }
0x1d: {  	_ =	sdelay $0x3  }
0x1e: {  	v2 =	vld.idx.msk [tilespmem:v2+s16+$0x0 ss:$0x1], $0xffff  }
0x1f: {  	s17 =	sshll.u32 s15, $0x9;
	s15 =	sadd.s32 $0x1, s15  }
0x20: {  	p0 =	sne.s32 s15, $0x4E  }
.Ltmp1:
0x21: {  	_ = 	snop;
	(pc) =	sbr.rel @p0 .LBB2_2-.Ltmp1, $4  }
0x22: {  	_ = 	snop  }
0x23: {  	s13 =	sadd.s32 $0x200, s13;
	v0 =	vadd.s32 v0, v2  }
0x24: {  	s14 =	sadd.s32 $0x200, s14;
	s31 =	sadd.s32 $0xD000, s17;
	s17 =	sadd.s32 $0x3400, s17;
	[tilespmem:v1+s16+$0x0 ss:$0x1] =	vst.idx.msk $0xffff, v0  }
0x25: {  	[tilespmem:s31], [sflag:$0x1] =	stream.indirect.gather [hbm4b:s3+s7], $0x1, s17, s7, $0xb8;
	[tilespmem:$0x16C00] =	vst v63  }
0x26: {  	_ =	swait.ge [sflag:s10], $0x9C00;
	s12 =	sadd.s32 $0x1, s12  }
0x27: {  	[sflag:s10] =	ssyncset.done $0x0;
	p0 =	sne.s32 s12, s6  }
.Ltmp2:
0x28: {  	[sflag:s10] =	ssyncadd.s32 $0xFFFF6400;
	(pc) =	sbr.rel @p0 .LBB2_1-.Ltmp2, $4  }
0x29: {  	[hbm4b:s5+s7] =	stream.strided.scatter [tilespmem:s11], [sflag:$0x2], $0x9C00, s8, s7, $0x38;
	[tilespmem:$0x16C00] =	vst v63  }
0x2a: {  	_ =	swait.ge [sflag:s9], $0x9C00  }
0x2b: {  	[sflag:s9] =	ssyncset.done $0x0  }
0x2c: {  	[sflag:s9] =	ssyncadd.s32 $0xFFFF6400  }
0x2d: {  	_ =	sfence.sel $0x180000  }
0x2e: {  	[bflag:$0x0] =	sbarrier.arrive $0xFFFF  }
0x2f: {  	p0 =	sne.s32 s1, $0x0;
	_ =	strace $0x90000047  }
0x30: {  	s0 =	sadd.s32 @!p0 $0x100000, s0;
	[bflag:$0x2] =	sbarrier.arrive $0xFFFF  }
0x31: {  	[sflag:s0] =	ssyncadd.tile.s32 @!p0 $0x1;
	_ =	shalt  }
.Lfunc_end2:
_tile_overlayer_lowered:
.L_overlay_start_2:
0x32: {  	(tag) =	ssettag $0x2  }
0x33: {  	s0 =	rddreg [dreg:$0x0];
	s2 =	stileid.u32  }
0x34: {  	s1 =	rddreg [dreg:$0x1];
	p0 =	sne.s32 s2, $0x0  }
0x35: {  	s3 =	rddreg [dreg:$0x2];
	[bflag:$0x3] =	sbarrier.arrive $0xFFFF;
	s2 =	simm.s32 @!p0 $0x1C02  }
0x36: {  	[timem:s3], [sflag:s2] =	dma.local @!p0 [hbm:s0], s1  }
0x37: {  	s0 =	simm.s32 @!p0 $0x2  }
0x38: {  	_ =	swait.ge @!p0 [sflag:s0], s1  }
0x39: {  	s1 =	ssub.s32 @!p0 $0x0, s1;
	[sflag:s0] =	ssyncset.done @!p0 $0x0  }
0x3a: {  	[sflag:s0] =	ssyncadd.s32 @!p0 s1  }
0x3b: {  	[bflag:$0x3] =	sbarrier.arrive $0xFFFF  }
0x3c: {  	_ =	shalt  }

</sc_bundles>
